<compile_context>
chip_gen: v7x
topology: tpu7x:2x2x1
jax: 0.10.2.dev20260603
libtpu: 0.0.44.dev20260713+nightly
codegen_flags: <defaults>
</compile_context>

<pallas_src>
import jax
import jax.numpy as jnp
from jax import lax
from jax.experimental import pallas as pl
from jax.experimental.pallas import tpu as pltpu
from jax.experimental.pallas import tpu_sc as plsc

N = 10000
E = 320000
F = 128
R = 8

NC = 2
NS = 16
NW = NC * NS
EPW = E // NW
K = 128
NCHUNK = 79
EPWP = NCHUNK * K
NPAD = 10240
TRASH = N + 16
TROWS = NPAD // NS


def _xr_kernel(x_ref, w_ref, out_ref):
    out_ref[0] = jnp.dot(x_ref[...], w_ref[0],
                         preferred_element_type=jnp.float32)


def _make_xr(x, weight):
    nb = 400
    xr = pl.pallas_call(
        _xr_kernel,
        grid=(R, N // nb),
        in_specs=[
            pl.BlockSpec((nb, F), lambda r, b: (b, 0)),
            pl.BlockSpec((1, F, F), lambda r, b: (r, 0, 0)),
        ],
        out_specs=pl.BlockSpec((1, nb, F), lambda r, b: (r, b, 0)),
        out_shape=jax.ShapeDtypeStruct((R, N, F), jnp.float32),
    )(x, weight)
    return xr.reshape(R * N, F)


def _gidx_kernel(s_ref, t_ref, out_ref):
    out_ref[...] = t_ref[...] * N + s_ref[...]


def _make_gidx(src, typ):
    src2 = src.reshape(E // F, F)
    typ2 = typ.reshape(E // F, F)
    return pl.pallas_call(
        _gidx_kernel,
        out_shape=jax.ShapeDtypeStruct((E // F, F), jnp.int32),
    )(src2, typ2).reshape(E)


def _sc_body(xr_hbm, gidx_hbm, dst_hbm, zeros_hbm, partial_hbm,
             gidx_v, dst_v, rows_v, acc_shared, sem):
    cid = lax.axis_index("c")
    sid = lax.axis_index("s")
    wid = sid * NC + cid

    pltpu.sync_copy(gidx_hbm.at[wid], gidx_v)
    pltpu.sync_copy(dst_hbm.at[wid], dst_v)

    zbase = sid * TROWS
    pltpu.sync_copy(zeros_hbm.at[pl.ds(zbase, TROWS)],
                    acc_shared.at[pl.ds(zbase, TROWS)])
    plsc.subcore_barrier()

    def _chunk(j, _):
        pltpu.async_copy(xr_hbm.at[gidx_v.at[j]], rows_v, sem).wait()
        pltpu.sync_copy(rows_v, acc_shared.at[dst_v.at[j]], add=True)
        return 0

    lax.fori_loop(0, NCHUNK, _chunk, 0)
    plsc.subcore_barrier()

    pltpu.sync_copy(acc_shared.at[pl.ds(zbase, TROWS)],
                    partial_hbm.at[cid, pl.ds(zbase, TROWS)])


def _scatter_partials(xr_flat, gidx3, dst3, zeros):
    mesh = plsc.VectorSubcoreMesh(core_axis_name="c", subcore_axis_name="s",
                                  num_cores=NC, num_subcores=NS)
    return pl.kernel(
        _sc_body,
        out_type=jax.ShapeDtypeStruct((NC, NPAD, F), jnp.float32),
        mesh=mesh,
        scratch_types=[
            pltpu.VMEM((NCHUNK, K), jnp.int32),
            pltpu.VMEM((NCHUNK, K), jnp.int32),
            pltpu.VMEM((K, F), jnp.float32),
            pltpu.VMEM_SHARED((NPAD, F), jnp.float32),
            pltpu.SemaphoreType.DMA,
        ],
    )(xr_flat, gidx3, dst3, zeros)


def _combine_kernel(p_ref, b_ref, out_ref):
    out_ref[...] = p_ref[0] + p_ref[1] + b_ref[...]


def _combine(partial, h_bias):
    nb = 400
    return pl.pallas_call(
        _combine_kernel,
        grid=(N // nb,),
        in_specs=[
            pl.BlockSpec((NC, nb, F), lambda b: (0, b, 0)),
            pl.BlockSpec((1, F), lambda b: (0, 0)),
        ],
        out_specs=pl.BlockSpec((nb, F), lambda b: (b, 0)),
        out_shape=jax.ShapeDtypeStruct((N, F), jnp.float32),
    )(partial, h_bias.reshape(1, F))


def _pad_per_worker(a, fill):
    a2 = a.reshape(NW, EPW)
    a2 = jnp.pad(a2, ((0, 0), (0, EPWP - EPW)), constant_values=fill)
    return a2.reshape(NW, NCHUNK, K)


@jax.jit
def kernel(x, edge_index, edge_type, weight, h_bias):
    xr_flat = _make_xr(x, weight)
    gidx = _make_gidx(edge_index[0], edge_type)
    gidx3 = _pad_per_worker(gidx, 0)
    dst3 = _pad_per_worker(edge_index[1], TRASH)
    zeros = jnp.zeros((NPAD, F), jnp.float32)
    partial = _scatter_partials(xr_flat, gidx3, dst3, zeros)
    return _combine(partial, h_bias)

# --- scband reference (transcript-rebuilt; emitter-appended) ---
"""Pipeline reference for scband-heter-rel-graph-conv-21809843929179 (READ-ONLY COPY).

The authoritative reference and input builder live on the scoring server;
editing this copy changes nothing except your own understanding.
"""

import jax, jax.numpy as jnp
import numpy as np

N = 10000      # num nodes
E = 320000     # num edges
IN = 128       # in_feat
OUT = 128      # out_feat
R = 8          # num_rels (num_bases == num_rels, so no basis composition)


def _xavier_uniform(key, shape, gain):
    # Match torch nn.init.xavier_uniform_ for a 3D tensor (R, IN, OUT):
    # fan_in = size(1) * receptive_field = IN * OUT, fan_out = size(0) * receptive = R * OUT
    fan_in = shape[1] * shape[2]
    fan_out = shape[0] * shape[2]
    bound = gain * np.sqrt(6.0 / (fan_in + fan_out))
    return jax.random.uniform(key, shape, dtype=jnp.float32, minval=-bound, maxval=bound)


def setup_inputs(seed: int = 0) -> dict:
    key = jax.random.key(seed)
    k1, k2, k3, k4 = jax.random.split(key, 4)
    x = jax.random.normal(k1, (N, IN), dtype=jnp.float32)
    edge_index = jax.random.randint(k2, (2, E), 0, N, dtype=jnp.int32)
    edge_type = jax.random.randint(k3, (E,), 0, R, dtype=jnp.int32)
    gain = np.sqrt(2.0)  # calculate_gain('relu')
    weight = _xavier_uniform(k4, (R, IN, OUT), gain)  # basis weights, num_bases == num_rels
    h_bias = jnp.zeros((OUT,), dtype=jnp.float32)
    return {"x": x, "edge_index": edge_index, "edge_type": edge_type,
            "weight": weight, "h_bias": h_bias}


def reference(x, edge_index, edge_type, weight, h_bias):
    # basis_message_func with num_bases == num_rels: per-edge msg = x[src] @ weight[edge_type]
    # Equivalent, gather-friendly form: precompute per-relation node transforms,
    # then gather msg = (x @ W_r)[src] for each edge's relation r, and sum-aggregate to dst
    # (fn.sum over each etype in DGL == segment_sum over all typed edges here).
    xr = jnp.einsum('ni,rio->rno', x, weight)          # [R, N, OUT]
    src = edge_index[0]
    dst = edge_index[1]
    msg = xr[edge_type, src]                            # gather [E, OUT]
    agg = jax.ops.segment_sum(msg, dst, num_segments=N) # scatter-add [N, OUT]
    node_repr = agg + h_bias                            # bias=True
    # self_loop=False, activation=None, dropout=0.0 (identity in eval)
    return node_repr

if __name__ == "__main__":
    import jax
    _d = setup_inputs()
    print(jax.jit(kernel)(*tuple(_d.values())))

</pallas_src>

<mosaic_0001>
#map = affine_map<(d0, d1) -> (0, 0)>
#map1 = affine_map<(d0, d1) -> (0, 0, 0)>
module attributes {stable_mosaic.version = 14 : i64} {
  func.func @_sc_body(%arg0: i32, %arg1: i32, %arg2: memref<80000x128xf32, #tpu.memory_space<hbm>>, %arg3: memref<32x79x128xi32, #tpu.memory_space<hbm>>, %arg4: memref<32x79x128xi32, #tpu.memory_space<hbm>>, %arg5: memref<10240x128xf32, #tpu.memory_space<hbm>>, %arg6: memref<2x10240x128xf32, #tpu.memory_space<hbm>>, %arg7: memref<79x128xi32, #tpu.memory_space<vmem>>, %arg8: memref<79x128xi32, #tpu.memory_space<vmem>>, %arg9: memref<128x128xf32, #tpu.memory_space<vmem>>, %arg10: memref<10240x128xf32, #tpu.memory_space<vmem_shared>>, %arg11: memref<!tpu.dma_semaphore, #tpu.memory_space<semaphore_mem>>) attributes {dimension_semantics = [#tpu.dimension_semantics<core_parallel>, #tpu.dimension_semantics<subcore_parallel>], iteration_bounds = array<i64: 2, 16>, scalar_prefetch = 0 : i64, scratch_operands = 5 : i64, tpu.core_type = #tpu.core_type<sc_vector_subcore>, window_params = [{transform_indices = #map}, {transform_indices = #map1}, {transform_indices = #map1}, {transform_indices = #map}, {transform_indices = #map1}]} {
    %mul3A = arith.constant 2 : i32
    %mul3A_0 = arith.muli %arg1, %mul3A : i32
    %add3A = arith.addi %mul3A_0, %arg0 : i32
    "tpu.region"() ({
      %run_scoped3A = tpu.sem_alloc : memref<!tpu.dma_semaphore, #tpu.memory_space<semaphore_mem>>
      %dma_start3A = arith.constant 0 : i32
      %dma_start3A_10 = arith.constant 0 : i32
      %dma_start3A_11 = tpu.memref_slice %arg3[%add3A, %dma_start3A, %dma_start3A_10] : memref<32x79x128xi32, #tpu.memory_space<hbm>> -> memref<1x79x128xi32, #tpu.memory_space<hbm>>
      %dma_start3A_12 = tpu.memref_squeeze %dma_start3A_11 : memref<1x79x128xi32, #tpu.memory_space<hbm>> -> memref<79x128xi32, #tpu.memory_space<hbm>>
      %dma_start3A_13 = arith.constant 0 : i32
      %dma_start3A_14 = arith.constant 0 : i32
      %dma_start3A_15 = tpu.memref_slice %arg3[%add3A, %dma_start3A_13, %dma_start3A_14] : memref<32x79x128xi32, #tpu.memory_space<hbm>> -> memref<1x79x128xi32, #tpu.memory_space<hbm>>
      %dma_start3A_16 = tpu.memref_squeeze %dma_start3A_15 : memref<1x79x128xi32, #tpu.memory_space<hbm>> -> memref<79x128xi32, #tpu.memory_space<hbm>>
      tpu.enqueue_dma source(%dma_start3A_16 : memref<79x128xi32, #tpu.memory_space<hbm>>) target(%arg7 : memref<79x128xi32, #tpu.memory_space<vmem>>) target_semaphore(%run_scoped3A : memref<!tpu.dma_semaphore, #tpu.memory_space<semaphore_mem>>)
      %dma_wait3A = arith.constant 0 : i32
      %dma_wait3A_17 = arith.constant 0 : i32
      %dma_wait3A_18 = tpu.memref_slice %arg3[%add3A, %dma_wait3A, %dma_wait3A_17] : memref<32x79x128xi32, #tpu.memory_space<hbm>> -> memref<1x79x128xi32, #tpu.memory_space<hbm>>
      %dma_wait3A_19 = tpu.memref_squeeze %dma_wait3A_18 : memref<1x79x128xi32, #tpu.memory_space<hbm>> -> memref<79x128xi32, #tpu.memory_space<hbm>>
      %dma_wait3A_20 = arith.constant 0 : i32
      %dma_wait3A_21 = arith.constant 0 : i32
      %dma_wait3A_22 = tpu.memref_slice %arg3[%add3A, %dma_wait3A_20, %dma_wait3A_21] : memref<32x79x128xi32, #tpu.memory_space<hbm>> -> memref<1x79x128xi32, #tpu.memory_space<hbm>>
      %dma_wait3A_23 = tpu.memref_squeeze %dma_wait3A_22 : memref<1x79x128xi32, #tpu.memory_space<hbm>> -> memref<79x128xi32, #tpu.memory_space<hbm>>
      tpu.wait_dma2 semaphore(%run_scoped3A : memref<!tpu.dma_semaphore, #tpu.memory_space<semaphore_mem>>) src(%dma_wait3A_23 : memref<79x128xi32, #tpu.memory_space<hbm>>) dst(%arg7 : memref<79x128xi32, #tpu.memory_space<vmem>>)
      tpu.yield
    }) : () -> ()
    "tpu.region"() ({
      %run_scoped3A = tpu.sem_alloc : memref<!tpu.dma_semaphore, #tpu.memory_space<semaphore_mem>>
      %dma_start3A = arith.constant 0 : i32
      %dma_start3A_10 = arith.constant 0 : i32
      %dma_start3A_11 = tpu.memref_slice %arg4[%add3A, %dma_start3A, %dma_start3A_10] : memref<32x79x128xi32, #tpu.memory_space<hbm>> -> memref<1x79x128xi32, #tpu.memory_space<hbm>>
      %dma_start3A_12 = tpu.memref_squeeze %dma_start3A_11 : memref<1x79x128xi32, #tpu.memory_space<hbm>> -> memref<79x128xi32, #tpu.memory_space<hbm>>
      %dma_start3A_13 = arith.constant 0 : i32
      %dma_start3A_14 = arith.constant 0 : i32
      %dma_start3A_15 = tpu.memref_slice %arg4[%add3A, %dma_start3A_13, %dma_start3A_14] : memref<32x79x128xi32, #tpu.memory_space<hbm>> -> memref<1x79x128xi32, #tpu.memory_space<hbm>>
      %dma_start3A_16 = tpu.memref_squeeze %dma_start3A_15 : memref<1x79x128xi32, #tpu.memory_space<hbm>> -> memref<79x128xi32, #tpu.memory_space<hbm>>
      tpu.enqueue_dma source(%dma_start3A_16 : memref<79x128xi32, #tpu.memory_space<hbm>>) target(%arg8 : memref<79x128xi32, #tpu.memory_space<vmem>>) target_semaphore(%run_scoped3A : memref<!tpu.dma_semaphore, #tpu.memory_space<semaphore_mem>>)
      %dma_wait3A = arith.constant 0 : i32
      %dma_wait3A_17 = arith.constant 0 : i32
      %dma_wait3A_18 = tpu.memref_slice %arg4[%add3A, %dma_wait3A, %dma_wait3A_17] : memref<32x79x128xi32, #tpu.memory_space<hbm>> -> memref<1x79x128xi32, #tpu.memory_space<hbm>>
      %dma_wait3A_19 = tpu.memref_squeeze %dma_wait3A_18 : memref<1x79x128xi32, #tpu.memory_space<hbm>> -> memref<79x128xi32, #tpu.memory_space<hbm>>
      %dma_wait3A_20 = arith.constant 0 : i32
      %dma_wait3A_21 = arith.constant 0 : i32
      %dma_wait3A_22 = tpu.memref_slice %arg4[%add3A, %dma_wait3A_20, %dma_wait3A_21] : memref<32x79x128xi32, #tpu.memory_space<hbm>> -> memref<1x79x128xi32, #tpu.memory_space<hbm>>
      %dma_wait3A_23 = tpu.memref_squeeze %dma_wait3A_22 : memref<1x79x128xi32, #tpu.memory_space<hbm>> -> memref<79x128xi32, #tpu.memory_space<hbm>>
      tpu.wait_dma2 semaphore(%run_scoped3A : memref<!tpu.dma_semaphore, #tpu.memory_space<semaphore_mem>>) src(%dma_wait3A_23 : memref<79x128xi32, #tpu.memory_space<hbm>>) dst(%arg8 : memref<79x128xi32, #tpu.memory_space<vmem>>)
      tpu.yield
    }) : () -> ()
    %mul3A_1 = arith.constant 640 : i32
    %mul3A_2 = arith.muli %arg1, %mul3A_1 : i32
    "tpu.region"() ({
      %run_scoped3A = tpu.sem_alloc : memref<!tpu.dma_semaphore, #tpu.memory_space<semaphore_mem>>
      %dma_start3A = arith.constant 0 : i32
      %dma_start3A_10 = tpu.memref_slice %arg10[%mul3A_2, %dma_start3A] : memref<10240x128xf32, #tpu.memory_space<vmem_shared>> -> memref<640x128xf32, #tpu.memory_space<vmem_shared>>
      %dma_start3A_11 = arith.constant 0 : i32
      %dma_start3A_12 = tpu.memref_slice %arg5[%mul3A_2, %dma_start3A_11] : memref<10240x128xf32, #tpu.memory_space<hbm>> -> memref<640x128xf32, #tpu.memory_space<hbm>>
      tpu.enqueue_dma source(%dma_start3A_12 : memref<640x128xf32, #tpu.memory_space<hbm>>) target(%dma_start3A_10 : memref<640x128xf32, #tpu.memory_space<vmem_shared>>) target_semaphore(%run_scoped3A : memref<!tpu.dma_semaphore, #tpu.memory_space<semaphore_mem>>)
      %dma_wait3A = arith.constant 0 : i32
      %dma_wait3A_13 = tpu.memref_slice %arg10[%mul3A_2, %dma_wait3A] : memref<10240x128xf32, #tpu.memory_space<vmem_shared>> -> memref<640x128xf32, #tpu.memory_space<vmem_shared>>
      %dma_wait3A_14 = arith.constant 0 : i32
      %dma_wait3A_15 = tpu.memref_slice %arg5[%mul3A_2, %dma_wait3A_14] : memref<10240x128xf32, #tpu.memory_space<hbm>> -> memref<640x128xf32, #tpu.memory_space<hbm>>
      tpu.wait_dma2 semaphore(%run_scoped3A : memref<!tpu.dma_semaphore, #tpu.memory_space<semaphore_mem>>) src(%dma_wait3A_15 : memref<640x128xf32, #tpu.memory_space<hbm>>) dst(%dma_wait3A_13 : memref<640x128xf32, #tpu.memory_space<vmem_shared>>)
      tpu.yield
    }) : () -> ()
    %barrier3A = arith.constant 0 : index
    tpu.barrier barrier_id(%barrier3A)
    %scan3A = arith.constant 0 : i32
    %scan3A_3 = arith.constant 0 : i32
    %scan3A_4 = arith.constant 79 : i32
    %scan3A_5 = arith.addi %scan3A_3, %scan3A_4 : i32
    %scan3A_6 = arith.constant 1 : i32
    %scan3A_7 = scf.for %scan3A_10 = %scan3A_3 to %scan3A_5 step %scan3A_6 iter_args(%scan3A_11 = %scan3A) -> (i32)  : i32 {
      %dma_start3A = arith.constant 0 : i32
      %dma_start3A_12 = tpu.memref_slice %arg7[%scan3A_10, %dma_start3A] : memref<79x128xi32, #tpu.memory_space<vmem>> -> memref<1x128xi32, #tpu.memory_space<vmem>>
      %dma_start3A_13 = tpu.memref_squeeze %dma_start3A_12 : memref<1x128xi32, #tpu.memory_space<vmem>> -> memref<128xi32, #tpu.memory_space<vmem>>
      %dma_start3A_14 = arith.constant 0 : i32
      %dma_start3A_15 = arith.constant 0 : i32
      %dma_start3A_16 = tpu.memref_slice %arg2[%dma_start3A_14, %dma_start3A_15] : memref<80000x128xf32, #tpu.memory_space<hbm>> -> memref<80000x128xf32, #tpu.memory_space<hbm>>
      tpu.enqueue_indirect_dma source(%dma_start3A_16 : memref<80000x128xf32, #tpu.memory_space<hbm>>) target(%arg9 : memref<128x128xf32, #tpu.memory_space<vmem>>) offsets(%dma_start3A_13 : memref<128xi32, #tpu.memory_space<vmem>>) semaphore(%arg11 : memref<!tpu.dma_semaphore, #tpu.memory_space<semaphore_mem>>)
      %dma_wait3A = arith.constant 0 : i32
      %dma_wait3A_17 = tpu.memref_slice %arg7[%scan3A_10, %dma_wait3A] : memref<79x128xi32, #tpu.memory_space<vmem>> -> memref<1x128xi32, #tpu.memory_space<vmem>>
      %dma_wait3A_18 = tpu.memref_squeeze %dma_wait3A_17 : memref<1x128xi32, #tpu.memory_space<vmem>> -> memref<128xi32, #tpu.memory_space<vmem>>
      %dma_wait3A_19 = arith.constant 0 : i32
      %dma_wait3A_20 = arith.constant 0 : i32
      %dma_wait3A_21 = tpu.memref_slice %arg2[%dma_wait3A_19, %dma_wait3A_20] : memref<80000x128xf32, #tpu.memory_space<hbm>> -> memref<80000x128xf32, #tpu.memory_space<hbm>>
      tpu.wait_indirect_dma semaphore(%arg11 : memref<!tpu.dma_semaphore, #tpu.memory_space<semaphore_mem>>) src(%dma_wait3A_21 : memref<80000x128xf32, #tpu.memory_space<hbm>>) dst(%arg9 : memref<128x128xf32, #tpu.memory_space<vmem>>)
      "tpu.region"() ({
        %run_scoped3A = tpu.sem_alloc : memref<!tpu.dma_semaphore, #tpu.memory_space<semaphore_mem>>
        %dma_start3A_23 = arith.constant 0 : i32
        %dma_start3A_24 = tpu.memref_slice %arg8[%scan3A_10, %dma_start3A_23] : memref<79x128xi32, #tpu.memory_space<vmem>> -> memref<1x128xi32, #tpu.memory_space<vmem>>
        %dma_start3A_25 = tpu.memref_squeeze %dma_start3A_24 : memref<1x128xi32, #tpu.memory_space<vmem>> -> memref<128xi32, #tpu.memory_space<vmem>>
        %dma_start3A_26 = arith.constant 0 : i32
        %dma_start3A_27 = arith.constant 0 : i32
        %dma_start3A_28 = tpu.memref_slice %arg10[%dma_start3A_26, %dma_start3A_27] : memref<10240x128xf32, #tpu.memory_space<vmem_shared>> -> memref<10240x128xf32, #tpu.memory_space<vmem_shared>>
        tpu.enqueue_indirect_dma source(%arg9 : memref<128x128xf32, #tpu.memory_space<vmem>>) target(%dma_start3A_28 : memref<10240x128xf32, #tpu.memory_space<vmem_shared>>) offsets(%dma_start3A_25 : memref<128xi32, #tpu.memory_space<vmem>>) semaphore(%run_scoped3A : memref<!tpu.dma_semaphore, #tpu.memory_space<semaphore_mem>>) {add = true}
        %dma_wait3A_29 = arith.constant 0 : i32
        %dma_wait3A_30 = tpu.memref_slice %arg8[%scan3A_10, %dma_wait3A_29] : memref<79x128xi32, #tpu.memory_space<vmem>> -> memref<1x128xi32, #tpu.memory_space<vmem>>
        %dma_wait3A_31 = tpu.memref_squeeze %dma_wait3A_30 : memref<1x128xi32, #tpu.memory_space<vmem>> -> memref<128xi32, #tpu.memory_space<vmem>>
        %dma_wait3A_32 = arith.constant 0 : i32
        %dma_wait3A_33 = arith.constant 0 : i32
        %dma_wait3A_34 = tpu.memref_slice %arg10[%dma_wait3A_32, %dma_wait3A_33] : memref<10240x128xf32, #tpu.memory_space<vmem_shared>> -> memref<10240x128xf32, #tpu.memory_space<vmem_shared>>
        tpu.wait_indirect_dma semaphore(%run_scoped3A : memref<!tpu.dma_semaphore, #tpu.memory_space<semaphore_mem>>) src(%arg9 : memref<128x128xf32, #tpu.memory_space<vmem>>) dst(%dma_wait3A_34 : memref<10240x128xf32, #tpu.memory_space<vmem_shared>>)
        tpu.yield
      }) : () -> ()
      %scan3A_22 = arith.constant 0 : i32
      scf.yield %scan3A_22 : i32
    }
    %scan3A_8 = arith.constant 79 : i32
    %barrier3A_9 = arith.constant 0 : index
    tpu.barrier barrier_id(%barrier3A_9)
    "tpu.region"() ({
      %run_scoped3A = tpu.sem_alloc : memref<!tpu.dma_semaphore, #tpu.memory_space<semaphore_mem>>
      %dma_start3A = arith.constant 0 : i32
      %dma_start3A_10 = tpu.memref_slice %arg6[%arg0, %mul3A_2, %dma_start3A] : memref<2x10240x128xf32, #tpu.memory_space<hbm>> -> memref<1x640x128xf32, #tpu.memory_space<hbm>>
      %dma_start3A_11 = tpu.memref_squeeze %dma_start3A_10 : memref<1x640x128xf32, #tpu.memory_space<hbm>> -> memref<640x128xf32, #tpu.memory_space<hbm>>
      %dma_start3A_12 = arith.constant 0 : i32
      %dma_start3A_13 = tpu.memref_slice %arg10[%mul3A_2, %dma_start3A_12] : memref<10240x128xf32, #tpu.memory_space<vmem_shared>> -> memref<640x128xf32, #tpu.memory_space<vmem_shared>>
      tpu.enqueue_dma source(%dma_start3A_13 : memref<640x128xf32, #tpu.memory_space<vmem_shared>>) target(%dma_start3A_11 : memref<640x128xf32, #tpu.memory_space<hbm>>) target_semaphore(%run_scoped3A : memref<!tpu.dma_semaphore, #tpu.memory_space<semaphore_mem>>)
      %dma_wait3A = arith.constant 0 : i32
      %dma_wait3A_14 = tpu.memref_slice %arg6[%arg0, %mul3A_2, %dma_wait3A] : memref<2x10240x128xf32, #tpu.memory_space<hbm>> -> memref<1x640x128xf32, #tpu.memory_space<hbm>>
      %dma_wait3A_15 = tpu.memref_squeeze %dma_wait3A_14 : memref<1x640x128xf32, #tpu.memory_space<hbm>> -> memref<640x128xf32, #tpu.memory_space<hbm>>
      %dma_wait3A_16 = arith.constant 0 : i32
      %dma_wait3A_17 = tpu.memref_slice %arg10[%mul3A_2, %dma_wait3A_16] : memref<10240x128xf32, #tpu.memory_space<vmem_shared>> -> memref<640x128xf32, #tpu.memory_space<vmem_shared>>
      tpu.wait_dma2 semaphore(%run_scoped3A : memref<!tpu.dma_semaphore, #tpu.memory_space<semaphore_mem>>) src(%dma_wait3A_17 : memref<640x128xf32, #tpu.memory_space<vmem_shared>>) dst(%dma_wait3A_15 : memref<640x128xf32, #tpu.memory_space<hbm>>)
      tpu.yield
    }) : () -> ()
    return
  }
}

module attributes {stable_mosaic.version = 14 : i64} {
  func.func @_gidx_kernel(%arg0: memref<2500x128xi32, #tpu.memory_space<vmem>>, %arg1: memref<2500x128xi32, #tpu.memory_space<vmem>>, %arg2: memref<2500x128xi32, #tpu.memory_space<vmem>>) attributes {dimension_semantics = [], scalar_prefetch = 0 : i64, scratch_operands = 0 : i64, tpu.core_type = #tpu.core_type<tc>} {
    %get3A = arith.constant 0 : index
    %get3A_0 = arith.constant 0 : index
    %get3A_1 = vector.load %arg1[%get3A, %get3A_0] : memref<2500x128xi32, #tpu.memory_space<vmem>>, vector<2500x128xi32>
    %mul3A = arith.constant 10000 : i32
    %mul3A_2 = vector.broadcast %mul3A : i32 to vector<2500x128xi32>
    %mul3A_3 = arith.muli %get3A_1, %mul3A_2 : vector<2500x128xi32>
    %get3A_4 = arith.constant 0 : index
    %get3A_5 = arith.constant 0 : index
    %get3A_6 = vector.load %arg0[%get3A_4, %get3A_5] : memref<2500x128xi32, #tpu.memory_space<vmem>>, vector<2500x128xi32>
    %add3A = arith.addi %mul3A_3, %get3A_6 : vector<2500x128xi32>
    %swap3A = arith.constant 0 : index
    %swap3A_7 = arith.constant 0 : index
    %swap3A_8 = vector.load %arg2[%swap3A, %swap3A_7] : memref<2500x128xi32, #tpu.memory_space<vmem>>, vector<2500x128xi32>
    tpu.vector_store %arg2[%swap3A, %swap3A_7], %add3A {strides = array<i32>} : memref<2500x128xi32, #tpu.memory_space<vmem>>, vector<2500x128xi32>,
    return
  }
}

module attributes {stable_mosaic.version = 14 : i64} {
  func.func @_xr_kernel(%arg0: i32, %arg1: i32, %arg2: memref<400x128xf32, #tpu.memory_space<vmem>>, %arg3: memref<1x128x128xf32, #tpu.memory_space<vmem>>, %arg4: memref<1x400x128xf32, #tpu.memory_space<vmem>>) attributes {dimension_semantics = [#tpu.dimension_semantics<arbitrary>, #tpu.dimension_semantics<arbitrary>], iteration_bounds = array<i64: 8, 25>, scalar_prefetch = 0 : i64, scratch_operands = 0 : i64, tpu.core_type = #tpu.core_type<tc>, window_params = [{transform_indices = @transform_0, window_bounds = array<i64: 400, 128>}, {transform_indices = @transform_1, window_bounds = array<i64: 1, 128, 128>}, {transform_indices = @transform_2, window_bounds = array<i64: 1, 400, 128>}]} {
    %get3A = arith.constant 0 : index
    %get3A_0 = arith.constant 0 : index
    %get3A_1 = vector.load %arg2[%get3A, %get3A_0] : memref<400x128xf32, #tpu.memory_space<vmem>>, vector<400x128xf32>
    %get3A_2 = arith.constant 0 : index
    %get3A_3 = arith.constant 0 : index
    %get3A_4 = arith.constant 0 : index
    %get3A_5 = vector.load %arg3[%get3A_2, %get3A_3, %get3A_4] : memref<1x128x128xf32, #tpu.memory_space<vmem>>, vector<1x128x128xf32>
    %get3A_6 = vector.shape_cast %get3A_5 : vector<1x128x128xf32> to vector<128x128xf32>
    %dot_general3A = arith.constant dense<0.000000e+00> : vector<400x128xf32>
    %dot_general3A_7 = tpu.matmul %get3A_1, %get3A_6, %dot_general3A {dimension_numbers = #tpu.dot_dimension_numbers<[1], [0], [0], [1], [0, 0, 1, 1], [], []>, transpose_lhs_hint = false} : vector<400x128xf32>, vector<128x128xf32>, vector<400x128xf32> -> vector<400x128xf32>
    %swap3A = arith.constant 0 : index
    %swap3A_8 = arith.constant 0 : index
    %swap3A_9 = arith.constant 0 : index
    %swap3A_10 = vector.load %arg4[%swap3A, %swap3A_8, %swap3A_9] : memref<1x400x128xf32, #tpu.memory_space<vmem>>, vector<1x400x128xf32>
    %swap3A_11 = vector.shape_cast %swap3A_10 : vector<1x400x128xf32> to vector<400x128xf32>
    %swap3A_12 = vector.shape_cast %dot_general3A_7 : vector<400x128xf32> to vector<1x400x128xf32>
    tpu.vector_store %arg4[%swap3A, %swap3A_8, %swap3A_9], %swap3A_12 {strides = array<i32>} : memref<1x400x128xf32, #tpu.memory_space<vmem>>, vector<1x400x128xf32>,
    return
  }
  func.func @transform_0(%arg0: i32, %arg1: i32) -> (i32, i32) {
    %c0_i32 = arith.constant 0 : i32
    %c0_i32_0 = arith.constant 0 : i32
    return %arg1, %c0_i32 : i32, i32
  }
  func.func @transform_1(%arg0: i32, %arg1: i32) -> (i32, i32, i32) {
    %c0_i32 = arith.constant 0 : i32
    %c0_i32_0 = arith.constant 0 : i32
    %c0_i32_1 = arith.constant 0 : i32
    return %arg0, %c0_i32, %c0_i32_0 : i32, i32, i32
  }
  func.func @transform_2(%arg0: i32, %arg1: i32) -> (i32, i32, i32) {
    %c0_i32 = arith.constant 0 : i32
    %c0_i32_0 = arith.constant 0 : i32
    return %arg0, %arg1, %c0_i32 : i32, i32, i32
  }
}

module attributes {stable_mosaic.version = 14 : i64} {
  func.func @_combine_kernel(%arg0: i32, %arg1: memref<2x400x128xf32, #tpu.memory_space<vmem>>, %arg2: memref<1x128xf32, #tpu.memory_space<vmem>>, %arg3: memref<400x128xf32, #tpu.memory_space<vmem>>) attributes {dimension_semantics = [#tpu.dimension_semantics<arbitrary>], iteration_bounds = array<i64: 25>, scalar_prefetch = 0 : i64, scratch_operands = 0 : i64, tpu.core_type = #tpu.core_type<tc>, window_params = [{transform_indices = @transform_0, window_bounds = array<i64: 2, 400, 128>}, {pipeline_mode = #tpu.pipeline_mode<synchronous>, transform_indices = @transform_1, window_bounds = array<i64: 1, 128>}, {transform_indices = @transform_2, window_bounds = array<i64: 400, 128>}]} {
    %get3A = arith.constant 0 : index
    %get3A_0 = arith.constant 0 : index
    %get3A_1 = arith.constant 0 : index
    %get3A_2 = vector.load %arg1[%get3A, %get3A_0, %get3A_1] : memref<2x400x128xf32, #tpu.memory_space<vmem>>, vector<1x400x128xf32>
    %get3A_3 = vector.shape_cast %get3A_2 : vector<1x400x128xf32> to vector<400x128xf32>
    %get3A_4 = arith.constant 1 : index
    %get3A_5 = arith.constant 0 : index
    %get3A_6 = arith.constant 0 : index
    %get3A_7 = vector.load %arg1[%get3A_4, %get3A_5, %get3A_6] : memref<2x400x128xf32, #tpu.memory_space<vmem>>, vector<1x400x128xf32>
    %get3A_8 = vector.shape_cast %get3A_7 : vector<1x400x128xf32> to vector<400x128xf32>
    %add3A = arith.addf %get3A_3, %get3A_8 : vector<400x128xf32>
    %get3A_9 = arith.constant 0 : index
    %get3A_10 = arith.constant 0 : index
    %get3A_11 = vector.load %arg2[%get3A_9, %get3A_10] : memref<1x128xf32, #tpu.memory_space<vmem>>, vector<1x128xf32>
    %add3A_12 = vector.broadcast %get3A_11 : vector<1x128xf32> to vector<400x128xf32>
    %add3A_13 = arith.addf %add3A, %add3A_12 : vector<400x128xf32>
    %swap3A = arith.constant 0 : index
    %swap3A_14 = arith.constant 0 : index
    %swap3A_15 = vector.load %arg3[%swap3A, %swap3A_14] : memref<400x128xf32, #tpu.memory_space<vmem>>, vector<400x128xf32>
    tpu.vector_store %arg3[%swap3A, %swap3A_14], %add3A_13 {strides = array<i32>} : memref<400x128xf32, #tpu.memory_space<vmem>>, vector<400x128xf32>,
    return
  }
  func.func @transform_0(%arg0: i32) -> (i32, i32, i32) {
    %c0_i32 = arith.constant 0 : i32
    %c0_i32_0 = arith.constant 0 : i32
    %c0_i32_1 = arith.constant 0 : i32
    return %c0_i32, %arg0, %c0_i32_0 : i32, i32, i32
  }
  func.func @transform_1(%arg0: i32) -> (i32, i32) {
    %c0_i32 = arith.constant 0 : i32
    %c0_i32_0 = arith.constant 0 : i32
    %c0_i32_1 = arith.constant 0 : i32
    return %c0_i32, %c0_i32_0 : i32, i32
  }
  func.func @transform_2(%arg0: i32) -> (i32, i32) {
    %c0_i32 = arith.constant 0 : i32
    %c0_i32_0 = arith.constant 0 : i32
    return %arg0, %c0_i32 : i32, i32
  }
}

</mosaic_0001>

<sc_bundles>
// kernel: kernel.6.cloned.1.call-start
scs
__scs_entry_jumppad:
0x0: {  	(pc) =	sbr.rel $0x88, $3  }
0x1: {  	(tag) =	ssettag $0x0;
	lr =	simm.s32 $0x1  }
0x2: {  	[smem:$0x3F9C] =	sst lr;
	_ =	strace $0xD0000000  }
0x3: {  	_ = 	snop  }
0x4: {  	_ = 	snop  }
0x5: {  	_ = 	snop  }
0x6: {  	_ = 	snop  }
0x7: {  	_ = 	snop  }
__scs_overlays_trampoline_lowered:
0x8: {  	[smem:$0x3FAB] =	sst s0  }
0x9: {  	[smem:$0x3FAC] =	sst s1  }
0xa: {  	[smem:$0x3FAD] =	sst s2  }
0xb: {  	[smem:$0x3FAE] =	sst s3  }
0xc: {  	[smem:$0x3FAF] =	sst s4  }
0xd: {  	[smem:$0x3FB0] =	sst s5  }
0xe: {  	[smem:$0x3FB1] =	sst s6  }
0xf: {  	[smem:$0x3FB2] =	sst s7  }
0x10: {  	[smem:$0x3FB3] =	sst s8  }
0x11: {  	[smem:$0x3FB4] =	sst s9;
	s0 =	simm.s32 @!p0 $0x0  }
0x12: {  	s1 =	sld [smem:$0x3F9A];
	s0 =	simm.s32 @p0 $0x1  }
0x13: {  	[smem:$0x3FB5] =	sst s0;
	s0 =	simm.s32 @!p1 $0x0  }
0x14: {  	s2 =	sld [smem:$0x3F99];
	s0 =	simm.s32 @p1 $0x1  }
0x15: {  	[smem:$0x3FB6] =	sst s0;
	s0 =	simm.s32 @!p2 $0x0  }
0x16: {  	s3 =	sld [smem:$0x3FDB];
	s0 =	simm.s32 @p2 $0x1  }
0x17: {  	s4 =	simm.s32 $0x1BF5;
	[smem:$0x3FB8] =	sst s0  }
0x18: {  	s0 =	sld [smem:$0x3F9B];
	_ =	swait.ge [sflag:s4], $0x0  }
0x19: {  	s7 =	sld [smem:$0x3F9C]  }
0x1a: {  	s8 =	sadd.s32 $0xFFFFE003, lr  }
0x1b: {  	s9 =	sadd.s32 $0xFFFFFEF7, lr;
	s5 =	simm.s32 $0xFFFFFFFF;
	p2 =	slt.u32 s8, $0xFFFFF086  }
0x1c: {  	p1 =	slt.u32 s9, $0xF7A;
	s5 =	simm.s32 @!p2 $0x0  }
0x1d: {  	s5 =	simm.s32 @p1 $0x1;
	p0 =	seq.s32 s7, s2  }
0x1e: {  	s7 =	smul.u32 @!p0 $0xF7A, s2;
	p2 =	seq.s32 @!p0 s5, $0x0  }
0x1f: {  	s9 =	smul.u32 $0xF7A, s1;
	s8 =	simm.s32 @!p0 $0x1BF5;
	p2 =	por !p2, p0  }
0x20: {  	[sflag:s8] =	ssyncset.s32 @!p0 $0xFFFFF086;
	s6 =	sadd.s32 @!p0 s3, s7;
	s7 =	simm.s32 @!p0 $0x108  }
0x21: {  	s3 =	sadd.s32 s3, s9;
	s6 =	sadd.s32 @!p0 $0x88, s6;
	s7 =	simm.s32 @p2 $0x1082  }
0x22: {  	[simem:s7], [sflag:s8] =	dma.local @!p0 [hbm:s6], $0xF7A  }
0x23: {  	s9 =	sor.u32 $0xD0000000, s2;
	s6 =	simm.s32 $0x108;
	_ =	swait.ge @!p0 [sflag:s8], $0x0  }
0x24: {  	s3 =	sadd.s32 $0x88, s3;
	s6 =	simm.s32 @!p1 $0x1082;
	[sflag:s4] =	ssyncset.s32 $0xFFFFF086  }
0x25: {  	[simem:s6], [sflag:s4] =	dma.local [hbm:s3], $0xF7A  }
0x26: {  	[smem:$0x3F9C] =	sst s1;
	(tag) =	ssettag s2;
	_ =	strace s9  }
0x27: {  	s1 =	sld [smem:$0x3FAC]  }
0x28: {  	s2 =	sld [smem:$0x3FAD]  }
0x29: {  	s4 =	sld [smem:$0x3FAF]  }
0x2a: {  	p0 =	seq.s32 s5, $0x0;
	s5 =	sld [smem:$0x3FB0]  }
0x2b: {  	s6 =	sld [smem:$0x3FB1]  }
0x2c: {  	s7 =	sld [smem:$0x3FB2]  }
0x2d: {  	s3 =	simm.s32 $0x108;
	s8 =	sld [smem:$0x3FB3]  }
0x2e: {  	s3 =	simm.s32 @!p0 $0x1082;
	s9 =	sld [smem:$0x3FB4]  }
0x2f: {  	lr =	sadd.s32 s0, s3;
	s0 =	sld [smem:$0x3FAB]  }
0x30: {  	s3 =	sld [smem:$0x3FAE]  }
0x31: {  	[smem:$0x3FB7] =	sst s10  }
0x32: {  	s10 =	sld [smem:$0x3FB5];
	_ =	sdelay $0x3  }
0x33: {  	p0 =	seq.s32 s10, $0x1;
	s10 =	sld [smem:$0x3FB7];
	_ =	sdelay $0x3  }
0x34: {  	[smem:$0x3FB7] =	sst s10  }
0x35: {  	s10 =	sld [smem:$0x3FB6];
	_ =	sdelay $0x3  }
0x36: {  	p1 =	seq.s32 s10, $0x1;
	s10 =	sld [smem:$0x3FB7];
	_ =	sdelay $0x3  }
0x37: {  	[smem:$0x3FB7] =	sst s10  }
0x38: {  	s10 =	sld [smem:$0x3FB8]  }
0x39: {  	_ = 	snop;
	(pc) =	sbr.ind lr, $3  }
0x3a: {  	_ = 	snop  }
0x3b: {  	_ = 	snop  }
0x3c: {  	p2 =	seq.s32 s10, $0x1;
	s10 =	sld [smem:$0x3FB7]  }
0x3d: {  	_ =	shalt  }
0x3e: {  	_ =	shalt  }
0x3f: {  	_ =	shalt  }
0x40: {  	_ =	shalt  }
0x41: {  	_ =	shalt  }
0x42: {  	_ =	shalt  }
0x43: {  	_ =	shalt  }
0x44: {  	_ =	shalt  }
0x45: {  	_ =	shalt  }
0x46: {  	_ =	shalt  }
0x47: {  	_ =	shalt  }
0x48: {  	_ =	shalt  }
0x49: {  	_ =	shalt  }
0x4a: {  	_ =	shalt  }
0x4b: {  	_ =	shalt  }
0x4c: {  	_ =	shalt  }
0x4d: {  	_ =	shalt  }
0x4e: {  	_ =	shalt  }
0x4f: {  	_ =	shalt  }
0x50: {  	_ =	shalt  }
0x51: {  	_ =	shalt  }
0x52: {  	_ =	shalt  }
0x53: {  	_ =	shalt  }
0x54: {  	_ =	shalt  }
0x55: {  	_ =	shalt  }
0x56: {  	_ =	shalt  }
0x57: {  	_ =	shalt  }
0x58: {  	_ =	shalt  }
0x59: {  	_ =	shalt  }
0x5a: {  	_ =	shalt  }
0x5b: {  	_ =	shalt  }
0x5c: {  	_ =	shalt  }
0x5d: {  	_ =	shalt  }
0x5e: {  	_ =	shalt  }
0x5f: {  	_ =	shalt  }
0x60: {  	_ =	shalt  }
0x61: {  	_ =	shalt  }
0x62: {  	_ =	shalt  }
0x63: {  	_ =	shalt  }
0x64: {  	_ =	shalt  }
0x65: {  	_ =	shalt  }
0x66: {  	_ =	shalt  }
0x67: {  	_ =	shalt  }
0x68: {  	_ =	shalt  }
0x69: {  	_ =	shalt  }
0x6a: {  	_ =	shalt  }
0x6b: {  	_ =	shalt  }
0x6c: {  	_ =	shalt  }
0x6d: {  	_ =	shalt  }
0x6e: {  	_ =	shalt  }
0x6f: {  	_ =	shalt  }
0x70: {  	_ =	shalt  }
0x71: {  	_ =	shalt  }
0x72: {  	_ =	shalt  }
0x73: {  	_ =	shalt  }
0x74: {  	_ =	shalt  }
0x75: {  	_ =	shalt  }
0x76: {  	_ =	shalt  }
0x77: {  	_ =	shalt  }
0x78: {  	_ =	shalt  }
0x79: {  	_ =	shalt  }
0x7a: {  	_ =	shalt  }
0x7b: {  	_ =	shalt  }
0x7c: {  	_ =	shalt  }
0x7d: {  	_ =	shalt  }
0x7e: {  	_ =	shalt  }
0x7f: {  	_ =	shalt  }
0x80: {  	_ =	shalt  }
0x81: {  	_ =	shalt  }
0x82: {  	_ =	shalt  }
0x83: {  	_ =	shalt  }
0x84: {  	_ =	shalt  }
0x85: {  	_ =	shalt  }
0x86: {  	_ =	shalt  }
0x87: {  	_ =	shalt  }
.Lfunc_end0:
.L_simem_size_0:
called_computation_lowered:
.L_overlay_start_0:
0x88: {  	s2 =	sld [smem:$0x3FD9]  }
0x89: {  	s3 =	sld [smem:$0x3FFE];
	_ =	sdelay $0x1  }
0x8a: {  	s1 =	srdreg.scid  }
0x8b: {  	s0 =	sand.u32 $0x1, s1  }
0x8c: {  	s17 =	sshll.u32 s0, $0xA;
	s2 =	sadd.s32 s3, s2  }
0x8d: {  	s2 =	sadd.s32 s2, s17  }
0x8e: {  	[smem:$0x3FC3] =	sst s2  }
0x8f: {  	_ = 	snop  }
0x90: {  	s2 =	sld [smem:$0x3FD0];
	(tm) =	ssettm $0x1  }
0x91: {  	s18 =	sld [smem:$0x3FFB];
	_ =	sdelay $0x3  }
0x92: {  	_ =	strace s18  }
0x93: {  	s3 =	sld [smem:$0x3FFC];
	_ =	sdelay $0x3  }
0x94: {  	_ =	strace s3  }
0x95: {  	s3 =	sld [smem:$0x3FFD];
	_ =	sdelay $0x3  }
0x96: {  	_ =	strace s3  }
0x97: {  	_ =	strace $0x8FFFFFFF  }
0x98: {  	s19 =	sld [smem:$0x3FDB];
	_ =	sdelay $0x1  }
0x99: {  	s4 =	simm.s32 $_scs_section_size  }
0x9a: {  	s5 =	simm.s32 $_size__tile_overlayer_lowered;
	s6 =	simm.s32 $_tile_overlayer_lowered  }
0x9b: {  	s22 =	simm.s32 $0x1BFF;
	s21 =	sshll.u32 s6, $0x1;
	s3 =	sadd.s32 s4, s19  }
0x9c: {  	s7 =	simm.s32 $0x0;
	s20 =	sshll.u32 s5, $0x1;
	s5 =	sadd.s32 s21, s3  }
0x9d: {  	[timem:s7], [sflag:s22] =	dma.local [hbm:s5], s20  }
0x9e: {  	_ =	swait.ge [sflag:s22], s20  }
0x9f: {  	s4 =	ssub.s32 $0x0, s20;
	[sflag:s22] =	ssyncset.done $0x0  }
0xa0: {  	[sflag:s22] =	ssyncadd.s32 s4;
	_ =	sdelay $0x1  }
0xa1: {  	s23 =	simm.s32 $0x1B8B  }
0xa2: {  	_ =	swait.ge [sflag:s23], $0x1  }
0xa3: {  	[sflag:s23] =	ssyncset.done $0x0  }
0xa4: {  	s25 =	simm.s32 $0x1B8E;
	s24 =	sld [smem:$0x3FFE];
	[sflag:s23] =	ssyncadd.s32 $0xFFFFFFFF  }
0xa5: {  	s26 =	simm.s32 $execute0_lowered;
	[smem:$0x3FD2] =	sst s25  }
0xa6: {  	s5 =	sshll.u32 s26, $0x1;
	_ =	strace $0x80000046;
	[dreg:$0x1] =	wrdreg $0xFFFFFFFF  }
0xa7: {  	s28 =	simm.s32 $_size_execute0_lowered;
	s3 =	sadd.s32 s3, s5;
	[dreg:$0x0] =	wrdreg $0x0  }
0xa8: {  	s5 =	sshll.u32 s28, $0x1;
	[dreg:$0x2] =	wrdreg s3  }
0xa9: {  	[dreg:$0x3] =	wrdreg s5  }
0xaa: {  	[dreg:$0x4] =	wrdreg $0xC0  }
0xab: {  	_ =	task [dreg:s7], $0x5FFFF  }
0xac: {  	[dreg:$0x1] =	wrdreg $0xFFFFFFFF  }
0xad: {  	[dreg:$0x0] =	wrdreg $0x60  }
0xae: {  	[dreg:$0x2] =	wrdreg s24  }
0xaf: {  	[dreg:$0x3] =	wrdreg s2  }
0xb0: {  	[dreg:$0x4] =	wrdreg $0x90000  }
0xb1: {  	[dreg:$0x5] =	wrdreg $0x9  }
0xb2: {  	_ =	task.clear_ibuf [dreg:s7], $0x6FFFF;
	_ =	strace $0x90000046  }
0xb3: {  	s29 =	simm.s32 $0x9;
	_ =	strace $0x80000048  }
0xb4: {  	_ =	swait.ge [sflag:s29], $0x1  }
0xb5: {  	[sflag:s29] =	ssyncadd.s32 $0xFFFFFFFF  }
0xb6: {  	_ =	strace $0x90000048  }
0xb7: {  	_ =	sfence  }
0xb8: {  	s30 =	sld [smem:$0x0];
	_ =	sdelay $0x2  }
0xb9: {  	s31 =	sshll.u32 s1, $0xD;
	s1 =	sshrl.u32 s1, $0x2  }
0xba: {  	s3 =	sand.u32 $0x4000, s31;
	s1 =	sadd.s32 s1, s30  }
0xbb: {  	s0 =	sor.u32 s3, s0;
	s1 =	sshll.u32 s1, $0x11  }
0xbc: {  	s0 =	sor.u32 s1, s0  }
0xbd: {  	s0 =	sadd.s32 $0x8F2B, s0  }
0xbe: {  	[sflag:s0] =	ssyncadd.remote.s32 $0x1  }
0xbf: {  	_ =	sfence.sel $0xFFFF  }
0xc0: {  	[dreg:$0x0] =	wrdreg $0xFFFFFFFF;
	(pc) =	sbr.abs _section_cstart, $3  }
0xc1: {  	[dreg:$0x1] =	wrdreg $0xFFFFFFFF  }
0xc2: {  	_ =	task.clear_ibuf [dreg:s7], $0x2FFFF;
	_ =	strace $0x9FFFFFFF  }
0xc3: {  	(tm) =	ssettm $0x7FFFFFFF  }
tec
execute0_lowered:
.L_overlay_start_1:
0x0: {  	(tag) =	ssettag $0x1  }
0x1: {  	s5 =	rddreg [dreg:$0x0]  }
0x2: {  	s1 =	srdreg.scid;
	s6 =	rddreg [dreg:$0x1]  }
0x3: {  	s0 =	stileid.u32;
	s2 =	rddreg [dreg:$0x2];
	s3 =	simm.s32 $0x0  }
0x4: {  	s15 =	simm.s32 $0x5000;
	s16 =	simm.s32 $0x1;
	s17 =	simm.s32 $0x0  }
0x5: {  	s7 =	sand.u32 $0x1, s1;
	s1 =	rddreg [dreg:$0x3];
	s9 =	smul.u32 $0x14000, s0  }
0x6: {  	s28 =	sshll.u32 s0, $0x1;
	[smem:$0x7FF] =	sst s3;
	s29 =	smul.u32 $0x50000, s0  }
0x7: {  	s31 =	sshll.u32 s0, $0x6;
	s4 =	sor.u32 s7, s28;
	s10 =	smul.u32 $0x140000, s7  }
0x8: {  	_ =	strace $0x80000047;
	s7 =	ssub.s32 $0x2, s7;
	s8 =	smul.u32 $0x500, s4  }
0x9: {  	s4 =	sadd.s32 $0xAC00, s5;
	s12 =	sshrl.u32 s9, $0x3;
	s13 =	sshrl.u32 s7, $0x1  }
0xa: {  	s30 =	sshrl.u32 s29, $0x2;
	s9 =	sadd.s32 s9, s10;
	s12 =	sadd.s32 s12, s5  }
0xb: {  	s13 =	ssub.s32 s7, s13;
	s14 =	sadd.s32 s30, s2;
	s10 =	simm.s32 $0x2  }
0xc: {  	s11 =	sadd.s32 s8, s5;
	s9 =	sshrl.u32 s9, $0x3;
	s7 =	sadd.s32 $0x143400, s12  }
0xd: {  	s12 =	sor.u32 $0x1C02, s31;
	s9 =	sadd.s32 s9, s5;
	s5 =	sadd.s32 s6, s8  }
0xe: {  	s6 =	sadd.s32 $0xC00, s11;
	s11 =	simm.s32 $0x2800;
	s8 =	sadd.s32 $0x16B400, s9  }
0xf: {  	s9 =	smax.u32 s13, $0x1;
	s13 =	sshrl.u32 s14, $0x3;
	s14 =	simm.s32 $0x80  }
.LBB2_1:
0x10: {  	[tilespmem:s3], [sflag:$0x2] =	stream.linear.gather [hbm4b:s5+s3], $0x2780, $0x38;
	[tilespmem:$0x1D000] =	vst v63  }
0x11: {  	_ =	swait.ge [sflag:s10], $0x2780  }
0x12: {  	[sflag:s10] =	ssyncset.done $0x0  }
0x13: {  	[sflag:s10] =	ssyncadd.s32 $0xFFFFD880  }
0x14: {  	[tilespmem:s11], [sflag:$0x2] =	stream.linear.gather [hbm4b:s6+s3], $0x2780, $0x38;
	[tilespmem:$0x1D000] =	vst v63  }
0x15: {  	_ =	swait.ge [sflag:s10], $0x2780  }
0x16: {  	[sflag:s10] =	ssyncset.done $0x0  }
0x17: {  	[sflag:s10] =	ssyncadd.s32 $0xFFFFD880  }
0x18: {  	[spmem:s13], [sflag:s12] =	dma.local [hbm:s7], $0x2800  }
0x19: {  	_ =	swait.ge [sflag:s10], $0x2800  }
0x1a: {  	[sflag:s10] =	ssyncset.done $0x0  }
0x1b: {  	[sflag:s10] =	ssyncadd.s32 $0xFFFFD800  }
0x1c: {  	s18 =	simm.s32 $0x0;
	[bflag:$0x0] =	sbarrier.arrive $0xFFFF  }
0x1d: {  	[tilespmem:s15], [sflag:$0x1] =	stream.indirect.gather [hbm4b:s4+s14], $0x80, s18, s14, $0xb8;
	[tilespmem:$0x1D000] =	vst v63  }
0x1e: {  	_ =	swait.ge [sflag:s16], $0x4000  }
0x1f: {  	[sflag:s16] =	ssyncset.done $0x0  }
0x20: {  	s31 =	simm.s32 $0x2800;
	[sflag:s16] =	ssyncadd.s32 $0xFFFFC000  }
0x21: {  	[spmem:s2] =	stream.indirect.scatter.add.f32 [tilespmem:s15], [sflag:$0x2], $0x80, s31, s14, $0xb8;
	[tilespmem:$0x1D000] =	vst v63  }
0x22: {  	_ =	swait.ge [sflag:s10], $0x4000  }
0x23: {  	s19 =	simm.s32 $0x400;
	s18 =	simm.s32 $0x200;
	[sflag:s10] =	ssyncset.done $0x0  }
.LBB2_2:
0x24: {  	s20 =	sshra.s32 s18, $0x2  }
0x25: {  	[sflag:s10] =	ssyncadd.s32 $0xFFFFC000;
	s18 =	smov.u32 s19;
	s21 =	sadd.s32 $0x200, s19  }
0x26: {  	[tilespmem:s15], [sflag:$0x1] =	stream.indirect.gather [hbm4b:s4+s14], $0x80, s20, s14, $0xb8;
	[tilespmem:$0x1D000] =	vst v63  }
0x27: {  	p0 =	sne.s32 s19, $0x9C00;
	_ =	swait.ge [sflag:s16], $0x4000  }
.Ltmp0:
0x28: {  	[sflag:s16] =	ssyncset.done $0x0;
	(pc) =	sbr.rel @p0 .LBB2_2-.Ltmp0, $4  }
0x29: {  	s19 =	sadd.s32 $0x2800, s20;
	[sflag:s16] =	ssyncadd.s32 $0xFFFFC000  }
0x2a: {  	[spmem:s2] =	stream.indirect.scatter.add.f32 [tilespmem:s15], [sflag:$0x2], $0x80, s19, s14, $0xb8;
	[tilespmem:$0x1D000] =	vst v63  }
0x2b: {  	_ =	swait.ge [sflag:s10], $0x4000  }
0x2c: {  	s19 =	smov.u32 s21;
	[sflag:s10] =	ssyncset.done $0x0  }
0x2d: {  	s18 =	sshra.s32 s18, $0x2;
	[sflag:s10] =	ssyncadd.s32 $0xFFFFC000  }
0x2e: {  	[tilespmem:s15], [sflag:$0x1] =	stream.indirect.gather [hbm4b:s4+s14], $0x80, s18, s14, $0xb8;
	[tilespmem:$0x1D000] =	vst v63  }
0x2f: {  	_ =	swait.ge [sflag:s16], $0x4000  }
0x30: {  	[sflag:s16] =	ssyncset.done $0x0  }
0x31: {  	s18 =	sadd.s32 $0x2800, s18;
	[sflag:s16] =	ssyncadd.s32 $0xFFFFC000  }
0x32: {  	[spmem:s2] =	stream.indirect.scatter.add.f32 [tilespmem:s15], [sflag:$0x2], $0x80, s18, s14, $0xb8;
	[tilespmem:$0x1D000] =	vst v63  }
0x33: {  	_ =	swait.ge [sflag:s10], $0x4000  }
0x34: {  	s17 =	sadd.s32 $0x1, s17;
	[sflag:s10] =	ssyncset.done $0x0  }
0x35: {  	p0 =	sne.s32 s17, s9;
	[sflag:s10] =	ssyncadd.s32 $0xFFFFC000  }
.Ltmp1:
0x36: {  	[bflag:$0x0] =	sbarrier.arrive $0xFFFF;
	(pc) =	sbr.rel @p0 .LBB2_1-.Ltmp1, $4  }
0x37: {  	[hbm:s8], [sflag:s12] =	dma.local [spmem:s13], $0x2800  }
0x38: {  	_ =	swait.ge [sflag:s10], $0x2800  }
0x39: {  	[sflag:s10] =	ssyncset.done $0x0  }
0x3a: {  	[sflag:s10] =	ssyncadd.s32 $0xFFFFD800  }
0x3b: {  	_ =	sfence.sel $0x180000  }
0x3c: {  	[bflag:$0x0] =	sbarrier.arrive $0xFFFF  }
0x3d: {  	p0 =	sne.s32 s0, $0x0;
	_ =	strace $0x90000047  }
0x3e: {  	s0 =	sadd.s32 @!p0 $0x100000, s1;
	[bflag:$0x2] =	sbarrier.arrive $0xFFFF  }
0x3f: {  	[sflag:s0] =	ssyncadd.tile.s32 @!p0 $0x1;
	_ =	shalt  }
.Lfunc_end2:
_tile_overlayer_lowered:
.L_overlay_start_2:
0x40: {  	(tag) =	ssettag $0x2  }
0x41: {  	s0 =	rddreg [dreg:$0x0];
	s2 =	stileid.u32  }
0x42: {  	s1 =	rddreg [dreg:$0x1];
	p0 =	sne.s32 s2, $0x0  }
0x43: {  	s3 =	rddreg [dreg:$0x2];
	[bflag:$0x3] =	sbarrier.arrive $0xFFFF;
	s2 =	simm.s32 @!p0 $0x1C02  }
0x44: {  	[timem:s3], [sflag:s2] =	dma.local @!p0 [hbm:s0], s1  }
0x45: {  	s0 =	simm.s32 @!p0 $0x2  }
0x46: {  	_ =	swait.ge @!p0 [sflag:s0], s1  }
0x47: {  	s1 =	ssub.s32 @!p0 $0x0, s1;
	[sflag:s0] =	ssyncset.done @!p0 $0x0  }
0x48: {  	[sflag:s0] =	ssyncadd.s32 @!p0 s1  }
0x49: {  	[bflag:$0x3] =	sbarrier.arrive $0xFFFF  }
0x4a: {  	_ =	shalt  }

</sc_bundles>
